<compile_context>
chip_gen: v7x
topology: tpu7x:2x2x1
jax: 0.10.2.dev20260603
libtpu: 0.0.44.dev20260713+nightly
codegen_flags: <defaults>
</compile_context>

<pallas_src>
import jax
import jax.numpy as jnp
from jax import lax
from jax.experimental import pallas as pl
from jax.experimental.pallas import tpu as pltpu

_NC = 80
_A = 3
_H = 64
_W = 64
_HW = _H * _W
_CH = 5 + _NC
_AW = (12.0 / 32.0, 19.0 / 32.0, 40.0 / 32.0)
_AH = (16.0 / 32.0, 36.0 / 32.0, 28.0 / 32.0)


def _yolo_block(thr_ref, x_ref, boxes_ref, ids_ref):
    ba = pl.program_id(0)
    a = ba % _A
    thr = thr_ref[0, 0]
    x = x_ref[0]

    head = x[0:8, :]
    sg = 1.0 / (1.0 + jnp.exp(-head))
    ex = jnp.exp(head)

    lane = lax.broadcasted_iota(jnp.int32, (1, _HW), 1)
    gx = (lane % _W).astype(jnp.float32)
    gy = (lane // _W).astype(jnp.float32)

    inv_w = jnp.float32(1.0 / _W)
    inv_h = jnp.float32(1.0 / _H)
    aw = jnp.where(
        a == 0, jnp.float32(_AW[0] / _W),
        jnp.where(a == 1, jnp.float32(_AW[1] / _W), jnp.float32(_AW[2] / _W)))
    ah = jnp.where(
        a == 0, jnp.float32(_AH[0] / _H),
        jnp.where(a == 1, jnp.float32(_AH[1] / _H), jnp.float32(_AH[2] / _H)))

    xs = (sg[0:1, :] + gx) * inv_w
    ys = (sg[1:2, :] + gy) * inv_h
    ws = ex[2:3, :] * aw
    hs = ex[3:4, :] * ah
    det = sg[4:5, :]

    sidx = lax.broadcasted_iota(jnp.int32, (_CH, _HW), 0)
    is_cls = sidx >= 5
    xm = jnp.where(is_cls, x, -jnp.inf)
    m = jnp.max(xm, axis=0, keepdims=True)
    p = jnp.exp(x - m)
    s = jnp.sum(jnp.where(is_cls, p, 0.0), axis=0, keepdims=True)
    conf = 1.0 / s
    am = jnp.min(jnp.where(jnp.logical_and(is_cls, xm >= m), sidx, _CH),
                 axis=0, keepdims=True) - 5

    mask = det > thr
    ids_ref[0] = jnp.where(mask, am, -1)

    b8 = jnp.concatenate([xs, ys, ws, hs, det, conf, det, det], axis=0)
    b8 = jnp.where(mask, b8, 0.0)
    boxes_ref[...] = b8.T[:, 0:6]


def kernel(output, nms_thresh):
    b = output.shape[0]
    nba = b * _A
    x3 = output.reshape(nba, _CH, _HW)
    thr = jnp.asarray(nms_thresh, jnp.float32).reshape(1, 1)
    boxes, ids = pl.pallas_call(
        _yolo_block,
        grid=(nba,),
        in_specs=[
            pl.BlockSpec(memory_space=pltpu.SMEM),
            pl.BlockSpec((1, _CH, _HW), lambda i: (i, 0, 0)),
        ],
        out_specs=[
            pl.BlockSpec((_HW, 6), lambda i: (i, 0)),
            pl.BlockSpec((1, 1, _HW), lambda i: (i, 0, 0)),
        ],
        out_shape=[
            jax.ShapeDtypeStruct((nba * _HW, 6), jnp.float32),
            jax.ShapeDtypeStruct((nba, 1, _HW), jnp.int32),
        ],
        compiler_params=pltpu.CompilerParams(
            dimension_semantics=("arbitrary",)),
    )(thr, x3)
    return boxes, ids.reshape(nba * _HW)

# --- scband reference (transcript-rebuilt; emitter-appended) ---
"""Pipeline reference for scband-yolo-layer-40106404610673 (READ-ONLY COPY).

The authoritative reference and input builder live on the scoring server;
editing this copy changes nothing except your own understanding.
"""

import jax, jax.numpy as jnp
import numpy as np

NUM_CLASSES = 80
ANCHOR_MASK = [0, 1, 2]
ANCHORS = [12.0, 16.0, 19.0, 36.0, 40.0, 28.0]
NUM_ANCHORS_TOTAL = 3
STRIDE = 32


def setup_inputs(seed: int = 0) -> dict:
    key = jax.random.key(seed)
    output = jax.random.normal(key, (16, (5 + NUM_CLASSES) * len(ANCHOR_MASK), 64, 64), dtype=jnp.float32)
    return {"output": output, "nms_thresh": 0.6}


def reference(output, nms_thresh):
    anchor_step = len(ANCHORS) // NUM_ANCHORS_TOTAL
    masked = []
    for m in ANCHOR_MASK:
        masked += ANCHORS[m * anchor_step:(m + 1) * anchor_step]
    masked = [a / STRIDE for a in masked]
    A = len(ANCHOR_MASK)
    B = output.shape[0]
    nc = NUM_CLASSES
    h = output.shape[2]
    w = output.shape[3]
    HW = h * w
    # view(B*A, 5+nc, HW).transpose(0,1).view(5+nc, B*A*HW)
    out = output.reshape(B * A, 5 + nc, HW).transpose(1, 0, 2).reshape(5 + nc, B * A * HW)
    grid_x = jnp.tile(jnp.tile(jnp.arange(w, dtype=output.dtype), (h, 1)).reshape(-1), B * A)
    grid_y = jnp.tile(jnp.tile(jnp.arange(h, dtype=output.dtype), (w, 1)).T.reshape(-1), B * A)
    anc = jnp.array(masked, dtype=output.dtype).reshape(A, anchor_step)
    anchor_w = jnp.repeat(jnp.tile(anc[:, 0], B), HW)
    anchor_h = jnp.repeat(jnp.tile(anc[:, 1], B), HW)
    xs = jax.nn.sigmoid(out[0]) + grid_x
    ys = jax.nn.sigmoid(out[1]) + grid_y
    ws = jnp.exp(out[2]) * anchor_w
    hs = jnp.exp(out[3]) * anchor_h
    det_confs = jax.nn.sigmoid(out[4])
    cls_confs = jax.nn.softmax(out[5:5 + nc].T, axis=1)
    cls_max_confs = jnp.max(cls_confs, axis=1)
    cls_max_ids = jnp.argmax(cls_confs, axis=1)
    boxes = jnp.stack([xs / w, ys / h, ws / w, hs / h, det_confs, cls_max_confs], axis=1)
    mask = det_confs > nms_thresh  # only_objectness=1 path
    boxes = jnp.where(mask[:, None], boxes, 0.0)
    ids = jnp.where(mask, cls_max_ids, -1)
    return boxes, ids

if __name__ == "__main__":
    import jax
    _d = setup_inputs()
    print(jax.jit(kernel)(*tuple(_d.values())))

</pallas_src>

<mosaic_0001>
module attributes {stable_mosaic.version = 14 : i64} {
  func.func @_yolo_block(%arg0: i32, %arg1: memref<1x1xf32, #tpu.memory_space<smem>>, %arg2: memref<1x85x4096xf32, #tpu.memory_space<vmem>>, %arg3: memref<4096x6xf32, #tpu.memory_space<vmem>>, %arg4: memref<1x1x4096xi32, #tpu.memory_space<vmem>>) attributes {dimension_semantics = [#tpu.dimension_semantics<arbitrary>], iteration_bounds = array<i64: 48>, scalar_prefetch = 0 : i64, scratch_operands = 0 : i64, tpu.core_type = #tpu.core_type<tc>, window_params = [{transform_indices = @transform_0, window_bounds = array<i64: 1, 1>}, {transform_indices = @transform_1, window_bounds = array<i64: 1, 85, 4096>}, {transform_indices = @transform_2, window_bounds = array<i64: 4096, 6>}, {transform_indices = @transform_3, window_bounds = array<i64: 1, 1, 4096>}]} {
    %jit3A = arith.constant 3 : i32
    %eq3A = arith.constant 0 : i32
    %eq3A_0 = arith.cmpi eq, %jit3A, %eq3A : i32
    %jit3A_1 = arith.constant 1 : i32
    %select_n3A = arith.select %eq3A_0, %jit3A_1, %jit3A : i32
    %rem3A = arith.remsi %arg0, %select_n3A : i32
    %ne3A = arith.constant 0 : i32
    %ne3A_2 = arith.cmpi ne, %rem3A, %ne3A : i32
    %lt3A = arith.constant 0 : i32
    %lt3A_3 = arith.cmpi slt, %rem3A, %lt3A : i32
    %lt3A_4 = arith.constant 0 : i32
    %lt3A_5 = arith.cmpi slt, %select_n3A, %lt3A_4 : i32
    %ne3A_6 = arith.xori %lt3A_3, %lt3A_5 : i1
    %and3A = arith.andi %ne3A_6, %ne3A_2 : i1
    %add3A = arith.addi %rem3A, %select_n3A : i32
    %select_n3A_7 = arith.select %and3A, %add3A, %rem3A : i32
    %get3A = arith.constant 0 : index
    %get3A_8 = arith.constant 0 : index
    %get3A_9 = memref.load %arg1[%get3A, %get3A_8] : memref<1x1xf32, #tpu.memory_space<smem>>
    %get3A_10 = arith.constant 0 : index
    %get3A_11 = arith.constant 0 : index
    %get3A_12 = arith.constant 0 : index
    %get3A_13 = vector.load %arg2[%get3A_10, %get3A_11, %get3A_12] : memref<1x85x4096xf32, #tpu.memory_space<vmem>>, vector<1x85x4096xf32>
    %get3A_14 = vector.shape_cast %get3A_13 : vector<1x85x4096xf32> to vector<85x4096xf32>
    %slice3A = vector.extract_strided_slice %get3A_14 {offsets = [0, 0], sizes = [8, 4096], strides = [1, 1]} : vector<85x4096xf32> to vector<8x4096xf32>
    %neg3A = arith.constant 0.000000e+00 : f32
    %neg3A_15 = vector.broadcast %neg3A : f32 to vector<8x4096xf32>
    %neg3A_16 = arith.subf %neg3A_15, %slice3A : vector<8x4096xf32>
    %exp3A = math.exp %neg3A_16 : vector<8x4096xf32>
    %add3A_17 = arith.constant 1.000000e+00 : f32
    %add3A_18 = vector.broadcast %add3A_17 : f32 to vector<8x4096xf32>
    %add3A_19 = arith.addf %add3A_18, %exp3A : vector<8x4096xf32>
    %div3A = arith.constant 1.000000e+00 : f32
    %div3A_20 = vector.broadcast %div3A : f32 to vector<8x4096xf32>
    %div3A_21 = arith.divf %div3A_20, %add3A_19 : vector<8x4096xf32>
    %exp3A_22 = math.exp %slice3A : vector<8x4096xf32>
    %iota3A = tpu.iota {dimensions = array<i32: 1>} : vector<1x4096xi32>
    %jit3A_23 = arith.constant 64 : i32
    %eq3A_24 = arith.constant 0 : i32
    %eq3A_25 = arith.cmpi eq, %jit3A_23, %eq3A_24 : i32
    %jit3A_26 = arith.constant 1 : i32
    %select_n3A_27 = arith.select %eq3A_25, %jit3A_26, %jit3A_23 : i32
    %rem3A_28 = vector.broadcast %select_n3A_27 : i32 to vector<1x4096xi32>
    %rem3A_29 = arith.remsi %iota3A, %rem3A_28 : vector<1x4096xi32>
    %ne3A_30 = arith.constant 0 : i32
    %ne3A_31 = vector.broadcast %ne3A_30 : i32 to vector<1x4096xi32>
    %ne3A_32 = arith.cmpi ne, %rem3A_29, %ne3A_31 : vector<1x4096xi32>
    %lt3A_33 = arith.constant 0 : i32
    %lt3A_34 = vector.broadcast %lt3A_33 : i32 to vector<1x4096xi32>
    %lt3A_35 = arith.cmpi slt, %rem3A_29, %lt3A_34 : vector<1x4096xi32>
    %lt3A_36 = arith.constant 0 : i32
    %lt3A_37 = arith.cmpi slt, %select_n3A_27, %lt3A_36 : i32
    %ne3A_38 = vector.broadcast %lt3A_37 : i1 to vector<1x4096xi1>
    %ne3A_39 = vector.broadcast %ne3A_38 : vector<1x4096xi1> to vector<1x4096xi1>
    %ne3A_40 = arith.xori %lt3A_35, %ne3A_39 : vector<1x4096xi1>
    %and3A_41 = arith.andi %ne3A_40, %ne3A_32 : vector<1x4096xi1>
    %add3A_42 = vector.broadcast %select_n3A_27 : i32 to vector<1x4096xi32>
    %add3A_43 = arith.addi %rem3A_29, %add3A_42 : vector<1x4096xi32>
    %select_n3A_44 = arith.select %and3A_41, %add3A_43, %rem3A_29 : vector<1x4096xi1>, vector<1x4096xi32>
    %convert_element_type3A = arith.sitofp %select_n3A_44 : vector<1x4096xi32> to vector<1x4096xf32>
    %jit3A_45 = arith.constant 64 : i32
    %div3A_46 = vector.broadcast %jit3A_45 : i32 to vector<1x4096xi32>
    %div3A_47 = arith.divsi %iota3A, %div3A_46 : vector<1x4096xi32>
    %sign3A = arith.constant 0 : i32
    %sign3A_48 = vector.broadcast %sign3A : i32 to vector<1x4096xi32>
    %sign3A_49 = arith.cmpi sgt, %iota3A, %sign3A_48 : vector<1x4096xi32>
    %sign3A_50 = arith.extui %sign3A_49 : vector<1x4096xi1> to vector<1x4096xi32>
    %sign3A_51 = arith.constant 0 : i32
    %sign3A_52 = vector.broadcast %sign3A_51 : i32 to vector<1x4096xi32>
    %sign3A_53 = arith.cmpi slt, %iota3A, %sign3A_52 : vector<1x4096xi32>
    %sign3A_54 = arith.extui %sign3A_53 : vector<1x4096xi1> to vector<1x4096xi32>
    %sign3A_55 = arith.subi %sign3A_50, %sign3A_54 : vector<1x4096xi32>
    %sign3A_56 = arith.constant 0 : i32
    %sign3A_57 = arith.cmpi sgt, %jit3A_45, %sign3A_56 : i32
    %sign3A_58 = arith.extui %sign3A_57 : i1 to i32
    %sign3A_59 = arith.constant 0 : i32
    %sign3A_60 = arith.cmpi slt, %jit3A_45, %sign3A_59 : i32
    %sign3A_61 = arith.extui %sign3A_60 : i1 to i32
    %sign3A_62 = arith.subi %sign3A_58, %sign3A_61 : i32
    %ne3A_63 = vector.broadcast %sign3A_62 : i32 to vector<1x4096xi32>
    %ne3A_64 = arith.cmpi ne, %sign3A_55, %ne3A_63 : vector<1x4096xi32>
    %rem3A_65 = vector.broadcast %jit3A_45 : i32 to vector<1x4096xi32>
    %rem3A_66 = arith.remsi %iota3A, %rem3A_65 : vector<1x4096xi32>
    %ne3A_67 = arith.constant 0 : i32
    %ne3A_68 = vector.broadcast %ne3A_67 : i32 to vector<1x4096xi32>
    %ne3A_69 = arith.cmpi ne, %rem3A_66, %ne3A_68 : vector<1x4096xi32>
    %and3A_70 = arith.andi %ne3A_64, %ne3A_69 : vector<1x4096xi1>
    %sub3A = arith.constant 1 : i32
    %sub3A_71 = vector.broadcast %sub3A : i32 to vector<1x4096xi32>
    %sub3A_72 = arith.subi %div3A_47, %sub3A_71 : vector<1x4096xi32>
    %select_n3A_73 = arith.select %and3A_70, %sub3A_72, %div3A_47 : vector<1x4096xi1>, vector<1x4096xi32>
    %convert_element_type3A_74 = arith.sitofp %select_n3A_73 : vector<1x4096xi32> to vector<1x4096xf32>
    %eq3A_75 = arith.constant 0 : i32
    %eq3A_76 = arith.cmpi eq, %select_n3A_7, %eq3A_75 : i32
    %eq3A_77 = arith.constant 1 : i32
    %eq3A_78 = arith.cmpi eq, %select_n3A_7, %eq3A_77 : i32
    %jit3A_79 = arith.constant 0.00927734375 : f32
    %jit3A_80 = arith.constant 0.01953125 : f32
    %select_n3A_81 = arith.select %eq3A_78, %jit3A_79, %jit3A_80 : f32
    %jit3A_82 = arith.constant 0.005859375 : f32
    %select_n3A_83 = arith.select %eq3A_76, %jit3A_82, %select_n3A_81 : f32
    %eq3A_84 = arith.constant 0 : i32
    %eq3A_85 = arith.cmpi eq, %select_n3A_7, %eq3A_84 : i32
    %eq3A_86 = arith.constant 1 : i32
    %eq3A_87 = arith.cmpi eq, %select_n3A_7, %eq3A_86 : i32
    %jit3A_88 = arith.constant 0.017578125 : f32
    %jit3A_89 = arith.constant 0.013671875 : f32
    %select_n3A_90 = arith.select %eq3A_87, %jit3A_88, %jit3A_89 : f32
    %jit3A_91 = arith.constant 7.812500e-03 : f32
    %select_n3A_92 = arith.select %eq3A_85, %jit3A_91, %select_n3A_90 : f32
    %slice3A_93 = vector.extract_strided_slice %div3A_21 {offsets = [0, 0], sizes = [1, 4096], strides = [1, 1]} : vector<8x4096xf32> to vector<1x4096xf32>
    %add3A_94 = arith.addf %slice3A_93, %convert_element_type3A : vector<1x4096xf32>
    %mul3A = arith.constant 1.562500e-02 : f32
    %mul3A_95 = vector.broadcast %mul3A : f32 to vector<1x4096xf32>
    %mul3A_96 = arith.mulf %add3A_94, %mul3A_95 : vector<1x4096xf32>
    %slice3A_97 = vector.extract_strided_slice %div3A_21 {offsets = [1, 0], sizes = [1, 4096], strides = [1, 1]} : vector<8x4096xf32> to vector<1x4096xf32>
    %add3A_98 = arith.addf %slice3A_97, %convert_element_type3A_74 : vector<1x4096xf32>
    %mul3A_99 = arith.constant 1.562500e-02 : f32
    %mul3A_100 = vector.broadcast %mul3A_99 : f32 to vector<1x4096xf32>
    %mul3A_101 = arith.mulf %add3A_98, %mul3A_100 : vector<1x4096xf32>
    %slice3A_102 = vector.extract_strided_slice %exp3A_22 {offsets = [2, 0], sizes = [1, 4096], strides = [1, 1]} : vector<8x4096xf32> to vector<1x4096xf32>
    %mul3A_103 = vector.broadcast %select_n3A_83 : f32 to vector<1x4096xf32>
    %mul3A_104 = arith.mulf %slice3A_102, %mul3A_103 : vector<1x4096xf32>
    %slice3A_105 = vector.extract_strided_slice %exp3A_22 {offsets = [3, 0], sizes = [1, 4096], strides = [1, 1]} : vector<8x4096xf32> to vector<1x4096xf32>
    %mul3A_106 = vector.broadcast %select_n3A_92 : f32 to vector<1x4096xf32>
    %mul3A_107 = arith.mulf %slice3A_105, %mul3A_106 : vector<1x4096xf32>
    %slice3A_108 = vector.extract_strided_slice %div3A_21 {offsets = [4, 0], sizes = [1, 4096], strides = [1, 1]} : vector<8x4096xf32> to vector<1x4096xf32>
    %iota3A_109 = tpu.iota {dimensions = array<i32: 0>} : vector<85x4096xi32>
    %ge3A = arith.constant 5 : i32
    %ge3A_110 = vector.broadcast %ge3A : i32 to vector<85x4096xi32>
    %ge3A_111 = arith.cmpi sge, %iota3A_109, %ge3A_110 : vector<85x4096xi32>
    %jit3A_112 = arith.constant 0xFF800000 : f32
    %broadcast_in_dim3A = vector.broadcast %jit3A_112 : f32 to vector<85x4096xf32>
    %select_n3A_113 = arith.select %ge3A_111, %get3A_14, %broadcast_in_dim3A : vector<85x4096xi1>, vector<85x4096xf32>
    %reduce_max3A = arith.constant dense<0xFF800000> : vector<4096xf32>
    %reduce_max3A_114 = vector.multi_reduction <maximumf>, %select_n3A_113, %reduce_max3A [0] : vector<85x4096xf32> to vector<4096xf32>
    %broadcast_in_dim3A_115 = vector.shape_cast %reduce_max3A_114 : vector<4096xf32> to vector<1x4096xf32>
    %sub3A_116 = vector.broadcast %broadcast_in_dim3A_115 : vector<1x4096xf32> to vector<85x4096xf32>
    %sub3A_117 = arith.subf %get3A_14, %sub3A_116 : vector<85x4096xf32>
    %exp3A_118 = math.exp %sub3A_117 : vector<85x4096xf32>
    %jit3A_119 = arith.constant 0.000000e+00 : f32
    %broadcast_in_dim3A_120 = vector.broadcast %jit3A_119 : f32 to vector<85x4096xf32>
    %select_n3A_121 = arith.select %ge3A_111, %exp3A_118, %broadcast_in_dim3A_120 : vector<85x4096xi1>, vector<85x4096xf32>
    %reduce_sum3A = arith.constant dense<0.000000e+00> : vector<4096xf32>
    %reduce_sum3A_122 = vector.multi_reduction <add>, %select_n3A_121, %reduce_sum3A [0] : vector<85x4096xf32> to vector<4096xf32>
    %broadcast_in_dim3A_123 = vector.shape_cast %reduce_sum3A_122 : vector<4096xf32> to vector<1x4096xf32>
    %div3A_124 = arith.constant 1.000000e+00 : f32
    %div3A_125 = vector.broadcast %div3A_124 : f32 to vector<1x4096xf32>
    %div3A_126 = arith.divf %div3A_125, %broadcast_in_dim3A_123 : vector<1x4096xf32>
    %ge3A_127 = vector.broadcast %broadcast_in_dim3A_115 : vector<1x4096xf32> to vector<85x4096xf32>
    %ge3A_128 = arith.cmpf oge, %select_n3A_113, %ge3A_127 : vector<85x4096xf32>
    %and3A_129 = arith.andi %ge3A_111, %ge3A_128 : vector<85x4096xi1>
    %jit3A_130 = arith.constant 85 : i32
    %broadcast_in_dim3A_131 = vector.broadcast %jit3A_130 : i32 to vector<85x4096xi32>
    %select_n3A_132 = arith.select %and3A_129, %iota3A_109, %broadcast_in_dim3A_131 : vector<85x4096xi1>, vector<85x4096xi32>
    %reduce_min3A = arith.constant dense<2147483647> : vector<4096xi32>
    %reduce_min3A_133 = vector.multi_reduction <minsi>, %select_n3A_132, %reduce_min3A [0] : vector<85x4096xi32> to vector<4096xi32>
    %broadcast_in_dim3A_134 = vector.shape_cast %reduce_min3A_133 : vector<4096xi32> to vector<1x4096xi32>
    %sub3A_135 = arith.constant 5 : i32
    %sub3A_136 = vector.broadcast %sub3A_135 : i32 to vector<1x4096xi32>
    %sub3A_137 = arith.subi %broadcast_in_dim3A_134, %sub3A_136 : vector<1x4096xi32>
    %gt3A = vector.broadcast %get3A_9 : f32 to vector<1x4096xf32>
    %gt3A_138 = arith.cmpf ogt, %slice3A_108, %gt3A : vector<1x4096xf32>
    %jit3A_139 = arith.constant -1 : i32
    %broadcast_in_dim3A_140 = vector.broadcast %jit3A_139 : i32 to vector<1x4096xi32>
    %select_n3A_141 = arith.select %gt3A_138, %sub3A_137, %broadcast_in_dim3A_140 : vector<1x4096xi1>, vector<1x4096xi32>
    %swap3A = arith.constant 0 : index
    %swap3A_142 = arith.constant 0 : index
    %swap3A_143 = arith.constant 0 : index
    %swap3A_144 = vector.load %arg4[%swap3A, %swap3A_142, %swap3A_143] : memref<1x1x4096xi32, #tpu.memory_space<vmem>>, vector<1x1x4096xi32>
    %swap3A_145 = vector.shape_cast %swap3A_144 : vector<1x1x4096xi32> to vector<1x4096xi32>
    %swap3A_146 = vector.shape_cast %select_n3A_141 : vector<1x4096xi32> to vector<1x1x4096xi32>
    tpu.vector_store %arg4[%swap3A, %swap3A_142, %swap3A_143], %swap3A_146 {strides = array<i32>} : memref<1x1x4096xi32, #tpu.memory_space<vmem>>, vector<1x1x4096xi32>,
    %concatenate3A = tpu.concatenate %mul3A_96, %mul3A_101, %mul3A_104, %mul3A_107, %slice3A_108, %div3A_126, %slice3A_108, %slice3A_108 in 0 : vector<1x4096xf32>, vector<1x4096xf32>, vector<1x4096xf32>, vector<1x4096xf32>, vector<1x4096xf32>, vector<1x4096xf32>, vector<1x4096xf32>, vector<1x4096xf32> -> vector<8x4096xf32>
    %jit3A_147 = arith.constant 0.000000e+00 : f32
    %broadcast_in_dim3A_148 = vector.shape_cast %gt3A_138 : vector<1x4096xi1> to vector<1x4096xi1>
    %broadcast_in_dim3A_149 = vector.broadcast %broadcast_in_dim3A_148 : vector<1x4096xi1> to vector<8x4096xi1>
    %broadcast_in_dim3A_150 = vector.broadcast %jit3A_147 : f32 to vector<8x4096xf32>
    %select_n3A_151 = arith.select %broadcast_in_dim3A_149, %concatenate3A, %broadcast_in_dim3A_150 : vector<8x4096xi1>, vector<8x4096xf32>
    %transpose3A = tpu.transpose %select_n3A_151, [1, 0] : vector<8x4096xf32> -> vector<4096x8xf32>
    %slice3A_152 = vector.extract_strided_slice %transpose3A {offsets = [0, 0], sizes = [4096, 6], strides = [1, 1]} : vector<4096x8xf32> to vector<4096x6xf32>
    %swap3A_153 = arith.constant 0 : index
    %swap3A_154 = arith.constant 0 : index
    %swap3A_155 = vector.load %arg3[%swap3A_153, %swap3A_154] : memref<4096x6xf32, #tpu.memory_space<vmem>>, vector<4096x6xf32>
    tpu.vector_store %arg3[%swap3A_153, %swap3A_154], %slice3A_152 {strides = array<i32>} : memref<4096x6xf32, #tpu.memory_space<vmem>>, vector<4096x6xf32>,
    return
  }
  func.func @transform_0(%arg0: i32) -> (i32, i32) {
    %c0_i32 = arith.constant 0 : i32
    %c0_i32_0 = arith.constant 0 : i32
    %c0_i32_1 = arith.constant 0 : i32
    return %c0_i32, %c0_i32_0 : i32, i32
  }
  func.func @transform_1(%arg0: i32) -> (i32, i32, i32) {
    %c0_i32 = arith.constant 0 : i32
    %c0_i32_0 = arith.constant 0 : i32
    %c0_i32_1 = arith.constant 0 : i32
    return %arg0, %c0_i32, %c0_i32_0 : i32, i32, i32
  }
  func.func @transform_2(%arg0: i32) -> (i32, i32) {
    %c0_i32 = arith.constant 0 : i32
    %c0_i32_0 = arith.constant 0 : i32
    return %arg0, %c0_i32 : i32, i32
  }
  func.func @transform_3(%arg0: i32) -> (i32, i32, i32) {
    %c0_i32 = arith.constant 0 : i32
    %c0_i32_0 = arith.constant 0 : i32
    %c0_i32_1 = arith.constant 0 : i32
    return %arg0, %c0_i32, %c0_i32_0 : i32, i32, i32
  }
}

</mosaic_0001>

<sc_bundles>
// kernel: sparse-core-data-format-call.cloned.1.call-start
scs
called_computation_lowered:
.L_overlay_start_0:
0x0: {  	s2 =	sld [smem:$0x3FD9]  }
0x1: {  	s3 =	sld [smem:$0x3FFE];
	_ =	sdelay $0x1  }
0x2: {  	s1 =	srdreg.scid  }
0x3: {  	s0 =	sand.u32 $0x1, s1  }
0x4: {  	s18 =	sshll.u32 s0, $0xA;
	s2 =	sadd.s32 s3, s2  }
0x5: {  	s2 =	sadd.s32 s2, s18  }
0x6: {  	[smem:$0x3FC6] =	sst s2  }
0x7: {  	_ = 	snop  }
0x8: {  	s2 =	sld [smem:$0x3FC9];
	(tm) =	ssettm $0x1  }
0x9: {  	s19 =	sld [smem:$0x3FFB];
	_ =	sdelay $0x3  }
0xa: {  	_ =	strace s19  }
0xb: {  	s3 =	sld [smem:$0x3FFC];
	_ =	sdelay $0x3  }
0xc: {  	_ =	strace s3  }
0xd: {  	s3 =	sld [smem:$0x3FFD];
	_ =	sdelay $0x3  }
0xe: {  	_ =	strace s3  }
0xf: {  	_ =	strace $0x8FFFFFFF  }
0x10: {  	s20 =	sld [smem:$0x3FDB];
	_ =	sdelay $0x1  }
0x11: {  	s4 =	simm.s32 $_scs_section_size  }
0x12: {  	s5 =	simm.s32 $_size__tile_overlayer_lowered;
	s6 =	simm.s32 $_tile_overlayer_lowered  }
0x13: {  	s23 =	simm.s32 $0x1BFF;
	s22 =	sshll.u32 s6, $0x1;
	s3 =	sadd.s32 s4, s20  }
0x14: {  	s7 =	simm.s32 $0x0;
	s21 =	sshll.u32 s5, $0x1;
	s5 =	sadd.s32 s22, s3  }
0x15: {  	[timem:s7], [sflag:s23] =	dma.local [hbm:s5], s21  }
0x16: {  	_ =	swait.ge [sflag:s23], s21  }
0x17: {  	s4 =	ssub.s32 $0x0, s21;
	[sflag:s23] =	ssyncset.done $0x0  }
0x18: {  	[sflag:s23] =	ssyncadd.s32 s4;
	_ =	sdelay $0x1  }
0x19: {  	s24 =	simm.s32 $0x1B8B  }
0x1a: {  	_ =	swait.ge [sflag:s24], $0x1  }
0x1b: {  	[sflag:s24] =	ssyncset.done $0x0  }
0x1c: {  	s26 =	simm.s32 $0x1B8E;
	s25 =	sld [smem:$0x3FFE];
	[sflag:s24] =	ssyncadd.s32 $0xFFFFFFFF  }
0x1d: {  	s27 =	simm.s32 $execute0_lowered;
	[smem:$0x3FD2] =	sst s26  }
0x1e: {  	s5 =	sshll.u32 s27, $0x1;
	_ =	strace $0x80000046;
	[dreg:$0x1] =	wrdreg $0xFFFFFFFF  }
0x1f: {  	s28 =	simm.s32 $_size_execute0_lowered;
	s3 =	sadd.s32 s3, s5;
	[dreg:$0x0] =	wrdreg $0x0  }
0x20: {  	s5 =	sshll.u32 s28, $0x1;
	[dreg:$0x2] =	wrdreg s3  }
0x21: {  	[dreg:$0x3] =	wrdreg s5  }
0x22: {  	[dreg:$0x4] =	wrdreg $0xC0  }
0x23: {  	_ =	task [dreg:s7], $0x5FFFF  }
0x24: {  	[dreg:$0x1] =	wrdreg $0xFFFFFFFF  }
0x25: {  	[dreg:$0x0] =	wrdreg $0x60  }
0x26: {  	[dreg:$0x2] =	wrdreg s2  }
0x27: {  	[dreg:$0x3] =	wrdreg s25  }
0x28: {  	[dreg:$0x4] =	wrdreg $0x9  }
0x29: {  	_ =	task.clear_ibuf [dreg:s7], $0x5FFFF;
	_ =	strace $0x90000046  }
0x2a: {  	s29 =	simm.s32 $0x9;
	_ =	strace $0x80000048  }
0x2b: {  	_ =	swait.ge [sflag:s29], $0x1  }
0x2c: {  	[sflag:s29] =	ssyncadd.s32 $0xFFFFFFFF  }
0x2d: {  	_ =	strace $0x90000048  }
0x2e: {  	_ =	sfence  }
0x2f: {  	s30 =	sld [smem:$0x0];
	_ =	sdelay $0x2  }
0x30: {  	s31 =	sshll.u32 s1, $0xD;
	s1 =	sshrl.u32 s1, $0x2  }
0x31: {  	s3 =	sand.u32 $0x4000, s31;
	s1 =	sadd.s32 s1, s30  }
0x32: {  	s0 =	sor.u32 s3, s0;
	s1 =	sshll.u32 s1, $0x11  }
0x33: {  	s0 =	sor.u32 s1, s0  }
0x34: {  	s0 =	sadd.s32 $0x8F2B, s0  }
0x35: {  	[sflag:s0] =	ssyncadd.remote.s32 $0x1  }
0x36: {  	_ =	sfence.sel $0xFFFF  }
0x37: {  	[dreg:$0x0] =	wrdreg $0xFFFFFFFF;
	(pc) =	sbr.abs _section_cstart, $3  }
0x38: {  	[dreg:$0x1] =	wrdreg $0xFFFFFFFF  }
0x39: {  	_ =	task.clear_ibuf [dreg:s7], $0x2FFFF;
	_ =	strace $0x9FFFFFFF  }
0x3a: {  	(tm) =	ssettm $0x7FFFFFFF  }
0x3b: {  	_ =	shalt  }
tec
execute0_lowered:
.L_overlay_start_1:
0x0: {  	(tag) =	ssettag $0x1  }
0x1: {  	s1 =	rddreg [dreg:$0x0]  }
0x2: {  	s3 =	rddreg [dreg:$0x1];
	s2 =	srdreg.scid  }
0x3: {  	s0 =	rddreg [dreg:$0x2];
	_ =	strace $0x80000047;
	s5 =	simm.s32 $0x1  }
0x4: {  	s7 =	simm.s32 $0x2;
	s15 =	simm.s32 $0x0;
	p0 =	por $0x0, $0x0  }
0x5: {  	s8 =	simm.s32 $0x40;
	s9 =	simm.s32 $0x2000;
	s16 =	simm.s32 $0x0  }
.Ltmp0:
0x6: {  	s10 =	simm.s32 $0x0;
	s2 =	sand.u32 $0x1, s2;
	(pc) =	sbr.rel .LBB1_1-.Ltmp0, $4  }
0x7: {  	s11 =	simm.s32 $0x0;
	s13 =	stileid.u32;
	s6 =	ssub.s32 $0x40, s2  }
0x8: {  	s14 =	simm.s32 $0x0;
	s4 =	sadd.s32 $0x600, s3;
	s31 =	sshrl.u32 s6, $0x1  }
0x9: {  	[sflag:s5] =	ssyncpa.u1 $0x0;
	s3 =	stileid.u32;
	s6 =	ssub.s32 s6, s31  }
0xa: {  	[sflag:s7] =	ssyncpa.u1 $0x0;
	s12 =	smov.u32 s2;
	s7 =	sadd.s32 $0x1, s6  }
.LBB1_4:
0xb: {  	_ =	sdelay $0x3  }
0xc: {  	s24 =	sor.u32 s27, s26;
	v47 =	vld.idx.msk [tilespmem:v0+s19+$0x470 ss:$0x1], $0xffff  }
0xd: {  	v57 =	vld.idx.msk [tilespmem:v0+s24+$0x410 ss:$0x1], $0xffff  }
0xe: {  	[tilespmem:s21+$0x1860 ss:$0x41] =	vst.msk $0xffff, v8;
	v58 =	vld.idx.msk [tilespmem:v0+s24+$0x420 ss:$0x1], $0xffff  }
0xf: {  	[tilespmem:s21+$0x1C70 ss:$0x41] =	vst.msk $0xffff, v7;
	v59 =	vld.idx.msk [tilespmem:v0+s24+$0x430 ss:$0x1], $0xffff  }
0x10: {  	[tilespmem:s21+$0x2490 ss:$0x41] =	vst.msk $0xffff, v1;
	v60 =	vld.idx.msk [tilespmem:v0+s24+$0x440 ss:$0x1], $0xffff  }
0x11: {  	[tilespmem:s21+$0x28A0 ss:$0x41] =	vst.msk $0xffff, v2;
	s25 =	sand.u32 $0x3B00, s24;
	v61 =	vld.idx.msk [tilespmem:v0+s24+$0x450 ss:$0x1], $0xffff  }
0x12: {  	s23 =	sand.u32 $0x80, s23;
	[tilespmem:s21+$0x2CB0 ss:$0x41] =	vst.msk $0xffff, v3;
	v62 =	vld.idx.msk [tilespmem:v0+s24+$0x460 ss:$0x1], $0xffff;
	s18 =	sadd.s32 s25, s18  }
0x13: {  	[tilespmem:s21+$0x30C0 ss:$0x41] =	vst.msk $0xffff, v4;
	v63 =	vld.idx.msk [tilespmem:v0+s24+$0x470 ss:$0x1], $0xffff;
	s18 =	sadd.s32 s23, s18  }
0x14: {  	[tilespmem:s21+$0x34D0 ss:$0x41] =	vst.msk $0xffff, v5;
	v48 =	vld [tilespmem:s18+$0x400]  }
0x15: {  	s22 =	sshra.s32 s22, $0x2;
	[tilespmem:s21+$0x38E0 ss:$0x41] =	vst.msk $0xffff, v6;
	v49 =	vld [tilespmem:s18+$0x0]  }
0x16: {  	s19 =	sadd.s32 s22, s20;
	v50 =	vld [tilespmem:s18+$0x10];
	[tilespmem:s21+$0x3CF0 ss:$0x41] =	vst.msk $0xffff, v47  }
0x17: {  	v51 =	vld [tilespmem:s18+$0x20];
	[tilespmem:s19+$0x2490 ss:$0x41] =	vst.msk $0xffff, v57  }
0x18: {  	v52 =	vld [tilespmem:s18+$0x30];
	[tilespmem:s19+$0x28A0 ss:$0x41] =	vst.msk $0xffff, v58  }
0x19: {  	v53 =	vld [tilespmem:s18+$0x40];
	[tilespmem:s19+$0x2CB0 ss:$0x41] =	vst.msk $0xffff, v59  }
0x1a: {  	v54 =	vld [tilespmem:s18+$0x50];
	[tilespmem:s19+$0x30C0 ss:$0x41] =	vst.msk $0xffff, v60  }
0x1b: {  	p1 =	sgt.s32 s11, $0xF;
	s23 =	sshra.s32 s11, $0x1F;
	v55 =	vld [tilespmem:s18+$0x60];
	[tilespmem:s19+$0x34D0 ss:$0x41] =	vst.msk $0xffff, v61  }
0x1c: {  	s25 =	sshra.s32 s10, $0x1F;
	v56 =	vld [tilespmem:s18+$0x70];
	s18 =	smov.u32 s11;
	s20 =	sand.u32 s23, s11;
	[tilespmem:s19+$0x38E0 ss:$0x41] =	vst.msk $0xffff, v62  }
0x1d: {  	s18 =	simm.s32 @!p1 $0xF;
	p1 =	sgt.s32 s10, $0x3F;
	s21 =	smov.u32 s10;
	[tilespmem:s19+$0x3CF0 ss:$0x41] =	vst.msk $0xffff, v63  }
0x1e: {  	s26 =	sand.u32 s25, s10;
	s18 =	ssub.s32 s18, s20;
	s21 =	simm.s32 @!p1 $0x3F;
	[tilespmem:s19+$0x2080 ss:$0x41] =	vst.msk $0xffff, v48  }
0x1f: {  	s27 =	ssub.s32 $0x10, s18;
	s20 =	ssub.s32 s21, s26;
	[tilespmem:s19+$0x0 ss:$0x41] =	vst.msk $0xffff, v49  }
0x20: {  	s18 =	sadd.s32 $0xFFFFFFF1, s18;
	s21 =	smul.u32 $0xFF, s27;
	s20 =	sadd.s32 $0xFFFFFFC1, s20;
	[tilespmem:s19+$0x410 ss:$0x41] =	vst.msk $0xffff, v50  }
0x21: {  	p1 =	sgt.s32 s18, $0x0;
	[tilespmem:s19+$0x820 ss:$0x41] =	vst.msk $0xffff, v51;
	s28 =	sshll.u32 s20, $0x6  }
0x22: {  	[tilespmem:s19+$0xC30 ss:$0x41] =	vst.msk $0xffff, v52;
	s21 =	simm.s32 @p1 $0x0;
	p1 =	sgt.s32 s20, $0x0;
	s18 =	ssub.s32 $0x40, s28  }
0x23: {  	s29 =	smul.u32 $0x3FC00, s11;
	[tilespmem:s19+$0x1040 ss:$0x41] =	vst.msk $0xffff, v53;
	s18 =	simm.s32 @p1 $0x0  }
0x24: {  	s30 =	sshll.u32 s10, $0x4;
	[tilespmem:s19+$0x1450 ss:$0x41] =	vst.msk $0xffff, v54;
	s18 =	smul.u32 s21, s18  }
0x25: {  	[tilespmem:s19+$0x1860 ss:$0x41] =	vst.msk $0xffff, v55;
	s20 =	sadd.s32 s4, s29;
	s21 =	sand.u32 $0x3F0, s30  }
0x26: {  	[tilespmem:s19+$0x1C70 ss:$0x41] =	vst.msk $0xffff, v56;
	s31 =	sadd.s32 s21, s20;
	s18 =	sand.u32 $0x3FFFFFC0, s18  }
0x27: {  	[hbm4b:s31+s8] =	stream.strided.scatter [tilespmem:s17], [sflag:$0x2], s18, s9, s8, $0x18;
	[tilespmem:$0x10200] =	vst v63  }
.LBB1_5:
0x28: {  	p1 =	slt.u32 s14, $0x2  }
0x29: {  	p2 =	sgt.s32 @!p1 s16, $0xF  }
0x2a: {  	s17 =	smov.u32 s16;
	s18 =	sshra.s32 @!p1 s16, $0x1F;
	p2 =	por !p2, p1  }
0x2b: {  	s19 =	sshra.s32 @!p1 s15, $0x1F;
	s17 =	simm.s32 @p2 $0xF;
	p2 =	sgt.s32 @!p1 s15, $0x3F  }
0x2c: {  	s16 =	sand.u32 @!p1 s18, s16;
	s18 =	smov.u32 s15;
	p2 =	por !p2, p1  }
0x2d: {  	s15 =	sand.u32 @!p1 s19, s15;
	s16 =	ssub.s32 @!p1 s17, s16;
	s18 =	simm.s32 @p2 $0x3F  }
0x2e: {  	s19 =	smov.u32 s13;
	s17 =	sadd.s32 @!p1 $0xFFFFFFF1, s16;
	s15 =	ssub.s32 @!p1 s18, s15  }
0x2f: {  	s16 =	ssub.s32 @!p1 $0x10, s16;
	p2 =	sgt.s32 @!p1 s17, $0x0;
	s15 =	sadd.s32 @!p1 $0xFFFFFFC1, s15  }
0x30: {  	s16 =	smul.u32 @!p1 $0xFF, s16;
	p3 =	sgt.s32 @!p1 s15, $0x0;
	s15 =	sshll.u32 @!p1 s15, $0x6  }
0x31: {  	p2 =	por !p2, p1;
	s15 =	ssub.s32 @!p1 $0x40, s15;
	p3 =	por !p3, p1  }
0x32: {  	s17 =	sadd.s32 $0x2, s12;
	s16 =	simm.s32 @!p2 $0x0;
	s15 =	simm.s32 @!p3 $0x0  }
0x33: {  	p2 =	sgt.s32 s17, $0x3F;
	s15 =	smul.u32 @!p1 s16, s15;
	s16 =	sadd.s32 $0x10, s13  }
0x34: {  	s19 =	smov.u32 @p2 s16  }
0x35: {  	s17 =	smov.u32 @p2 s2;
	p2 =	sgt.s32 s19, $0xF  }
0x36: {  	s19 =	smov.u32 @p2 s3;
	p2 =	sne.s32 s14, s7  }
.Ltmp1:
0x37: {  	p0 =	por !p0, !p0;
	s18 =	simm.s32 @!p1 $0x2;
	(pc) =	sbr.rel @!p2 .LBB1_6-.Ltmp1, $4  }
0x38: {  	s16 =	smov.u32 s11;
	s11 =	smov.u32 s13;
	s15 =	sand.u32 @!p1 $0x3FFFFFC0, s15  }
0x39: {  	_ =	swait.ge @!p1 [sflag:s18], s15;
	s20 =	ssub.s32 @!p1 $0x0, s15;
	s15 =	smov.u32 s10  }
0x3a: {  	s14 =	sadd.s32 $0x1, s14;
	s10 =	smov.u32 s12;
	[sflag:s18] =	ssyncset.done @!p1 $0x0  }
0x3b: {  	s12 =	smov.u32 s17;
	s13 =	smov.u32 s19;
	[sflag:s18] =	ssyncadd.s32 @!p1 s20  }
.LBB1_1:
0x3c: {  	p1 =	sge.u32 s14, s6  }
0x3d: {  	s31 =	sadd.s32 $0xFFFFFFFF, s14;
	s17 =	sxor.u32 @!p1 $0xFFFFFFFF, s14;
	s18 =	sshll.u32 @!p1 s13, $0x11  }
0x3e: {  	s19 =	sshll.u32 @!p1 s12, $0xB;
	s17 =	sshll.u32 @!p1 s17, $0xE;
	s18 =	sadd.s32 @!p1 s1, s18  }
0x3f: {  	s17 =	sand.u32 @!p1 $0x4000, s17;
	s18 =	sadd.s32 @!p1 s19, s18;
	s19 =	simm.s32 @!p1 $0x0  }
0x40: {  	[tilespmem:s17], [sflag:$0x1] =	stream.linear.gather @!p1 [hbm4b:s18+s19], $0x4000, $0x38;
	[tilespmem:$0x10200] =	vst v63  }
0x41: {  	p1 =	sge.u32 s31, s6  }
.Ltmp2:
0x42: {  	_ = 	snop;
	(pc) =	sbr.rel @p1 .LBB1_5-.Ltmp2, $1  }
0x43: {  	_ =	sdelay $0x3  }
0x44: {  	s20 =	simm.s32 $0x0  }
0x45: {  	s19 =	sand.u32 $0x3800, s20;
	s21 =	sand.u32 $0x380, s20  }
0x46: {  	s17 =	sand.u32 $0x1, s14;
	s19 =	sor.u32 s21, s19  }
0x47: {  	_ =	swait.ge [sflag:s5], $0x4000;
	s18 =	sshll.u32 s17, $0xE;
	s21 =	sand.u32 $0x3B00, s19  }
0x48: {  	[sflag:s5] =	ssyncset.done $0x0;
	s20 =	sand.u32 $0x80, s20;
	s21 =	sadd.s32 s21, s18  }
0x49: {  	[sflag:s5] =	ssyncadd.s32 $0xFFFFC000;
	s23 =	sadd.s32 s20, s21  }
0x4a: {  	v4 =	vld [tilespmem:s23+$0x400]  }
0x4b: {  	s22 =	simm.s32 $0x1;
	v5 =	vld [tilespmem:s23+$0x0]  }
0x4c: {  	s22 =	simm.s32 @!p0 $0x0;
	v6 =	vld [tilespmem:s23+$0x10]  }
0x4d: {  	v0 =	vmov s18;
	s31 =	smul.u32 $0x10400, s22;
	v7 =	vld [tilespmem:s23+$0x20]  }
0x4e: {  	v9 =	vld [tilespmem:s23+$0x30]  }
0x4f: {  	s20 =	sshrl.u32 s31, $0x2;
	v10 =	vld [tilespmem:s23+$0x40]  }
0x50: {  	s20 =	sor.u32 $0x8000, s20;
	v11 =	vld [tilespmem:s23+$0x50]  }
0x51: {  	v8 =	vld [tilespmem:s23+$0x60];
	s21 =	sadd.s32 $0x0, s20  }
0x52: {  	v1 =	vld.idx.msk [tilespmem:v0+s19+$0x410 ss:$0x1], $0xffff;
	[tilespmem:s21+$0x2080 ss:$0x41] =	vst.msk $0xffff, v4  }
0x53: {  	v2 =	vld.idx.msk [tilespmem:v0+s19+$0x420 ss:$0x1], $0xffff;
	[tilespmem:s21+$0x0 ss:$0x41] =	vst.msk $0xffff, v5  }
0x54: {  	v3 =	vld.idx.msk [tilespmem:v0+s19+$0x430 ss:$0x1], $0xffff;
	[tilespmem:s21+$0x410 ss:$0x41] =	vst.msk $0xffff, v6  }
0x55: {  	s17 =	smul.u32 $0x10400, s17;
	[tilespmem:s21+$0x820 ss:$0x41] =	vst.msk $0xffff, v7;
	v7 =	vld [tilespmem:s23+$0x70]  }
0x56: {  	s24 =	simm.s32 $0x100;
	s25 =	simm.s32 $0x8;
	[tilespmem:s21+$0xC30 ss:$0x41] =	vst.msk $0xffff, v9;
	v4 =	vld.idx.msk [tilespmem:v0+s19+$0x440 ss:$0x1], $0xffff  }
0x57: {  	s26 =	sand.u32 $0x3800, s24;
	s17 =	sshrl.u32 s17, $0x2;
	[tilespmem:s21+$0x1040 ss:$0x41] =	vst.msk $0xffff, v10;
	v5 =	vld.idx.msk [tilespmem:v0+s19+$0x450 ss:$0x1], $0xffff;
	s23 =	simm.s32 $0x80  }
0x58: {  	s22 =	simm.s32 $0x4;
	s17 =	sor.u32 $0x8000, s17;
	[tilespmem:s21+$0x1450 ss:$0x41] =	vst.msk $0xffff, v11;
	v6 =	vld.idx.msk [tilespmem:v0+s19+$0x460 ss:$0x1], $0xffff;
	s27 =	sand.u32 $0x380, s23  }
.LBB1_3:
0x59: {  	p1 =	sne.s32 s25, $0xFC;
	[tilespmem:s21+$0x1860 ss:$0x41] =	vst.msk $0xffff, v8;
	v8 =	vld.idx.msk [tilespmem:v0+s19+$0x470 ss:$0x1], $0xffff;
	s19 =	sor.u32 s27, s26  }
0x5a: {  	s26 =	sand.u32 $0x3B00, s19;
	v9 =	vld.idx.msk [tilespmem:v0+s19+$0x410 ss:$0x1], $0xffff;
	[tilespmem:s21+$0x1C70 ss:$0x41] =	vst.msk $0xffff, v7  }
0x5b: {  	s27 =	sand.u32 $0x80, s23;
	s26 =	sadd.s32 s26, s18;
	v7 =	vld.idx.msk [tilespmem:v0+s19+$0x420 ss:$0x1], $0xffff;
	[tilespmem:s21+$0x2490 ss:$0x41] =	vst.msk $0xffff, v1  }
0x5c: {  	s26 =	sadd.s32 s27, s26;
	v10 =	vld.idx.msk [tilespmem:v0+s19+$0x430 ss:$0x1], $0xffff;
	[tilespmem:s21+$0x28A0 ss:$0x41] =	vst.msk $0xffff, v2  }
0x5d: {  	v11 =	vld [tilespmem:s26+$0x400];
	[tilespmem:s21+$0x2CB0 ss:$0x41] =	vst.msk $0xffff, v3  }
0x5e: {  	v12 =	vld [tilespmem:s26+$0x0];
	[tilespmem:s21+$0x30C0 ss:$0x41] =	vst.msk $0xffff, v4  }
0x5f: {  	v4 =	vld [tilespmem:s26+$0x10];
	[tilespmem:s21+$0x34D0 ss:$0x41] =	vst.msk $0xffff, v5  }
0x60: {  	s27 =	sshra.s32 s22, $0x2;
	s22 =	smov.u32 s25;
	v1 =	vmov v9;
	v5 =	vld [tilespmem:s26+$0x20];
	[tilespmem:s21+$0x38E0 ss:$0x41] =	vst.msk $0xffff, v6  }
0x61: {  	v2 =	vmov v7;
	v6 =	vld [tilespmem:s26+$0x30];
	[tilespmem:s21+$0x3CF0 ss:$0x41] =	vst.msk $0xffff, v8;
	s21 =	sadd.s32 s27, s20  }
0x62: {  	v3 =	vmov v10;
	v9 =	vld [tilespmem:s26+$0x40];
	[tilespmem:s21+$0x2080 ss:$0x41] =	vst.msk $0xffff, v11  }
0x63: {  	[tilespmem:s21+$0x0 ss:$0x41] =	vst.msk $0xffff, v12;
	v10 =	vld [tilespmem:s26+$0x50]  }
.Ltmp3:
0x64: {  	[tilespmem:s21+$0x410 ss:$0x41] =	vst.msk $0xffff, v4;
	v8 =	vld [tilespmem:s26+$0x60];
	(pc) =	sbr.rel @p1 .LBB1_3-.Ltmp3, $4  }
0x65: {  	[tilespmem:s21+$0x820 ss:$0x41] =	vst.msk $0xffff, v5;
	v7 =	vld [tilespmem:s26+$0x70]  }
0x66: {  	[tilespmem:s21+$0xC30 ss:$0x41] =	vst.msk $0xffff, v6;
	v4 =	vld.idx.msk [tilespmem:v0+s19+$0x440 ss:$0x1], $0xffff  }
0x67: {  	s23 =	sadd.s32 $0x80, s23;
	s24 =	sadd.s32 $0x100, s24;
	[tilespmem:s21+$0x1040 ss:$0x41] =	vst.msk $0xffff, v9;
	v5 =	vld.idx.msk [tilespmem:v0+s19+$0x450 ss:$0x1], $0xffff  }
0x68: {  	s25 =	sadd.s32 $0x4, s25;
	s27 =	sand.u32 $0x380, s23;
	s26 =	sand.u32 $0x3800, s24;
	[tilespmem:s21+$0x1450 ss:$0x41] =	vst.msk $0xffff, v10;
	v6 =	vld.idx.msk [tilespmem:v0+s19+$0x460 ss:$0x1], $0xffff  }
.Ltmp4:
0x69: {  	_ = 	snop;
	(pc) =	sbr.rel .LBB1_4-.Ltmp4, $1  }
0x6a: {  	_ =	sdelay $0x3  }
.LBB1_6:
0x6b: {  	_ =	sfence.sel $0x180000  }
0x6c: {  	s1 =	simm.s32 $0x1;
	[bflag:$0x0] =	sbarrier.arrive $0xFFFF  }
0x6d: {  	s31 =	simm.s32 $0x2;
	[sflag:s1] =	ssyncpa.u1 $0x1  }
0x6e: {  	[sflag:s31] =	ssyncpa.u1 $0x1  }
0x6f: {  	p0 =	sne.s32 s3, $0x0;
	_ =	strace $0x90000047  }
0x70: {  	s0 =	sadd.s32 @!p0 $0x100000, s0;
	[bflag:$0x2] =	sbarrier.arrive $0xFFFF  }
0x71: {  	[sflag:s0] =	ssyncadd.tile.s32 @!p0 $0x1;
	_ =	shalt  }
.Lfunc_end1:
_tile_overlayer_lowered:
.L_overlay_start_2:
0x72: {  	(tag) =	ssettag $0x2  }
0x73: {  	s0 =	rddreg [dreg:$0x0];
	s2 =	stileid.u32  }
0x74: {  	s1 =	rddreg [dreg:$0x1];
	p0 =	sne.s32 s2, $0x0  }
0x75: {  	s3 =	rddreg [dreg:$0x2];
	[bflag:$0x3] =	sbarrier.arrive $0xFFFF;
	s2 =	simm.s32 @!p0 $0x1C01  }
0x76: {  	[timem:s3], [sflag:s2] =	dma.local @!p0 [hbm:s0], s1  }
0x77: {  	s0 =	simm.s32 @!p0 $0x1  }
0x78: {  	_ =	swait.ge @!p0 [sflag:s0], s1  }
0x79: {  	s1 =	ssub.s32 @!p0 $0x0, s1;
	[sflag:s0] =	ssyncset.done @!p0 $0x0  }
0x7a: {  	[sflag:s0] =	ssyncadd.s32 @!p0 s1  }
0x7b: {  	[bflag:$0x3] =	sbarrier.arrive $0xFFFF  }
0x7c: {  	_ =	shalt  }

</sc_bundles>
